<compile_context>
chip_gen: v7x
topology: tpu7x:2x2x1
jax: 0.10.2.dev20260603
libtpu: 0.0.44.dev20260713+nightly
codegen_flags: <defaults>
</compile_context>

<pallas_src>
import functools

import jax
import jax.numpy as jnp
from jax import lax
from jax.experimental import pallas as pl
from jax.experimental.pallas import tpu as pltpu
from jax.experimental.pallas import tpu_sc as plsc

VOCAB = 1300
D = 128
BATCH = 16384
HIST = 200
B = BATCH * HIST

NC, NS = 2, 16
NW = NC * NS
C = 256
NBUF = 3
NCHUNK = B // (NW * C)
NG = (NCHUNK - 1) // NBUF

_MESH = plsc.VectorSubcoreMesh(core_axis_name="c", subcore_axis_name="s")


@functools.partial(
    pl.kernel,
    out_type=jax.ShapeDtypeStruct((B, D), jnp.float32),
    mesh=_MESH,
    scratch_types=[
        [pltpu.VMEM((C,), jnp.int32) for _ in range(NBUF)],
        [pltpu.VMEM((C, D), jnp.float32) for _ in range(NBUF)],
        pltpu.VMEM_SHARED((VOCAB, D), jnp.float32),
        [pltpu.SemaphoreType.DMA for _ in range(NBUF)],
        [pltpu.SemaphoreType.DMA for _ in range(NBUF)],
        [pltpu.SemaphoreType.DMA for _ in range(NBUF)],
    ],
)
def _sc_gather(
    idx_hbm, table_hbm, out_hbm, idxb, rows, table_sh, isems, gsems, ssems
):
    wid = lax.axis_index("s") * NC + lax.axis_index("c")
    chunk0 = wid * NCHUNK

    @pl.when(lax.axis_index("s") == 0)
    def _():
        pltpu.sync_copy(table_hbm, table_sh)

    plsc.subcore_barrier()

    def idx_start(i, k):
        pltpu.async_copy(
            idx_hbm.at[pl.ds((chunk0 + i) * C, C)], idxb[k], isems[k]
        )

    def idx_wait(k):
        pltpu.make_async_copy(idx_hbm.at[pl.ds(0, C)], idxb[k], isems[k]).wait()

    def g_start(k):
        pltpu.async_copy(table_sh.at[idxb[k]], rows[k], gsems[k])

    def g_wait(k):
        pltpu.make_async_copy(table_sh.at[idxb[k]], rows[k], gsems[k]).wait()

    def s_start(i, k):
        pltpu.async_copy(rows[k], out_hbm.at[pl.ds((chunk0 + i) * C, C)], ssems[k])

    def s_wait(k):
        pltpu.make_async_copy(rows[k], out_hbm.at[pl.ds(0, C)], ssems[k]).wait()


    def group(g, _):
        for p in range(NBUF):
            i = NBUF * g + p
            nb = (p + 1) % NBUF
            pb = (p + 2) % NBUF

            if p < NBUF - 1:
                @pl.when(g > 0)
                def _():
                    s_wait(nb)
            else:
                s_wait(nb)

            if p < NBUF - 1:
                idx_start(i + 2, pb)
            else:
                @pl.when(g < NG - 1)
                def _():
                    idx_start(i + 2, pb)

            s_start(i, p)
        return 0

    lax.fori_loop(0, NG, group, 0)

    s_start(NCHUNK - 1, 0)
    for k in range(NBUF):
        s_wait(k)


def kernel(indices, species):
    idx = indices.reshape(-1).astype(jnp.int32)
    out = _sc_gather(idx, species)
    return out.reshape(BATCH, HIST, D)

# --- scband reference (transcript-rebuilt; emitter-appended) ---
"""Pipeline reference for scband-pok-emb-67611375173688 (READ-ONLY COPY).

The authoritative reference and input builder live on the scoring server;
editing this copy changes nothing except your own understanding.
"""

import jax, jax.numpy as jnp
import numpy as np

VOCAB = 1300
EMBED_DIM = 128
BATCH = 16384
HIST = 200


def setup_inputs(seed: int = 0) -> dict:
    key = jax.random.key(seed)
    k1, k2 = jax.random.split(key)
    # 'species' embedding table stands in for the pretrained gendata['species'] encodings
    species = jax.random.normal(k1, (VOCAB, EMBED_DIM), dtype=jnp.float32)
    indices = jax.random.randint(k2, (BATCH, HIST), 0, VOCAB, dtype=jnp.int64)
    return {"indices": indices, "species": species}


def reference(indices, species):
    # PokEmb.forward_species: nn.Embedding.from_pretrained lookup -> pure gather
    return jnp.take(species, indices, axis=0)

if __name__ == "__main__":
    import jax
    _d = setup_inputs()
    print(jax.jit(kernel)(*tuple(_d.values())))

</pallas_src>

<mosaic_0001>
#map = affine_map<(d0, d1) -> (0)>
#map1 = affine_map<(d0, d1) -> (0, 0)>
module attributes {stable_mosaic.version = 14 : i64} {
  func.func @_sc_gather(%arg0: i32, %arg1: i32, %arg2: memref<3276800xi32, #tpu.memory_space<hbm>>, %arg3: memref<1300x128xf32, #tpu.memory_space<hbm>>, %arg4: memref<3276800x128xf32, #tpu.memory_space<hbm>>, %arg5: memref<256xi32, #tpu.memory_space<vmem>>, %arg6: memref<256xi32, #tpu.memory_space<vmem>>, %arg7: memref<256xi32, #tpu.memory_space<vmem>>, %arg8: memref<256x128xf32, #tpu.memory_space<vmem>>, %arg9: memref<256x128xf32, #tpu.memory_space<vmem>>, %arg10: memref<256x128xf32, #tpu.memory_space<vmem>>, %arg11: memref<1300x128xf32, #tpu.memory_space<vmem_shared>>, %arg12: memref<!tpu.dma_semaphore, #tpu.memory_space<semaphore_mem>>, %arg13: memref<!tpu.dma_semaphore, #tpu.memory_space<semaphore_mem>>, %arg14: memref<!tpu.dma_semaphore, #tpu.memory_space<semaphore_mem>>, %arg15: memref<!tpu.dma_semaphore, #tpu.memory_space<semaphore_mem>>, %arg16: memref<!tpu.dma_semaphore, #tpu.memory_space<semaphore_mem>>, %arg17: memref<!tpu.dma_semaphore, #tpu.memory_space<semaphore_mem>>, %arg18: memref<!tpu.dma_semaphore, #tpu.memory_space<semaphore_mem>>, %arg19: memref<!tpu.dma_semaphore, #tpu.memory_space<semaphore_mem>>, %arg20: memref<!tpu.dma_semaphore, #tpu.memory_space<semaphore_mem>>) attributes {dimension_semantics = [#tpu.dimension_semantics<core_parallel>, #tpu.dimension_semantics<subcore_parallel>], iteration_bounds = array<i64: 2, 16>, scalar_prefetch = 0 : i64, scratch_operands = 16 : i64, tpu.core_type = #tpu.core_type<sc_vector_subcore>, window_params = [{transform_indices = #map}, {transform_indices = #map1}, {transform_indices = #map1}]} {
    %mul3A = arith.constant 2 : i32
    %mul3A_0 = arith.muli %arg1, %mul3A : i32
    %add3A = arith.addi %mul3A_0, %arg0 : i32
    %mul3A_1 = arith.constant 400 : i32
    %mul3A_2 = arith.muli %add3A, %mul3A_1 : i32
    %eq3A = arith.constant 0 : i32
    %eq3A_3 = arith.cmpi eq, %arg1, %eq3A : i32
    %convert_element_type3A = arith.extui %eq3A_3 : i1 to i32
    %cond3A = arith.constant 0 : i32
    %cond3A_4 = arith.cmpi ne, %convert_element_type3A, %cond3A : i32
    scf.if %cond3A_4 {
      "tpu.region"() ({
        %run_scoped3A = tpu.sem_alloc : memref<!tpu.dma_semaphore, #tpu.memory_space<semaphore_mem>>
        tpu.enqueue_dma source(%arg3 : memref<1300x128xf32, #tpu.memory_space<hbm>>) target(%arg11 : memref<1300x128xf32, #tpu.memory_space<vmem_shared>>) target_semaphore(%run_scoped3A : memref<!tpu.dma_semaphore, #tpu.memory_space<semaphore_mem>>)
        tpu.wait_dma2 semaphore(%run_scoped3A : memref<!tpu.dma_semaphore, #tpu.memory_space<semaphore_mem>>) src(%arg3 : memref<1300x128xf32, #tpu.memory_space<hbm>>) dst(%arg11 : memref<1300x128xf32, #tpu.memory_space<vmem_shared>>)
        tpu.yield
      }) : () -> ()
    } else {
    }
    %barrier3A = arith.constant 0 : index
    tpu.barrier barrier_id(%barrier3A)
    %scan3A = arith.constant 0 : i32
    %scan3A_5 = arith.constant 0 : i32
    %scan3A_6 = arith.constant 133 : i32
    %scan3A_7 = arith.addi %scan3A_5, %scan3A_6 : i32
    %scan3A_8 = arith.constant 1 : i32
    %scan3A_9 = scf.for %scan3A_35 = %scan3A_5 to %scan3A_7 step %scan3A_8 iter_args(%scan3A_36 = %scan3A) -> (i32)  : i32 {
      %mul3A_37 = arith.constant 3 : i32
      %mul3A_38 = arith.muli %mul3A_37, %scan3A_35 : i32
      %add3A_39 = arith.constant 0 : i32
      %add3A_40 = arith.addi %mul3A_38, %add3A_39 : i32
      %gt3A = arith.constant 0 : i32
      %gt3A_41 = arith.cmpi sgt, %scan3A_35, %gt3A : i32
      %convert_element_type3A_42 = arith.extui %gt3A_41 : i1 to i32
      %cond3A_43 = arith.constant 0 : i32
      %cond3A_44 = arith.cmpi ne, %convert_element_type3A_42, %cond3A_43 : i32
      scf.if %cond3A_44 {
        %dma_wait3A_104 = arith.constant 0 : i32
        %dma_wait3A_105 = arith.constant 0 : i32
        %dma_wait3A_106 = tpu.memref_slice %arg4[%dma_wait3A_104, %dma_wait3A_105] : memref<3276800x128xf32, #tpu.memory_space<hbm>> -> memref<256x128xf32, #tpu.memory_space<hbm>>
        %dma_wait3A_107 = arith.constant 0 : i32
        %dma_wait3A_108 = arith.constant 0 : i32
        %dma_wait3A_109 = tpu.memref_slice %arg4[%dma_wait3A_107, %dma_wait3A_108] : memref<3276800x128xf32, #tpu.memory_space<hbm>> -> memref<256x128xf32, #tpu.memory_space<hbm>>
        tpu.wait_dma2 semaphore(%arg19 : memref<!tpu.dma_semaphore, #tpu.memory_space<semaphore_mem>>) src(%arg9 : memref<256x128xf32, #tpu.memory_space<vmem>>) dst(%dma_wait3A_109 : memref<256x128xf32, #tpu.memory_space<hbm>>)
      } else {
      }
      %add3A_45 = arith.constant 2 : i32
      %add3A_46 = arith.addi %add3A_40, %add3A_45 : i32
      %add3A_47 = arith.addi %mul3A_2, %add3A_46 : i32
      %mul3A_48 = arith.constant 256 : i32
      %mul3A_49 = arith.muli %add3A_47, %mul3A_48 : i32
      %dma_start3A_50 = tpu.memref_slice %arg2[%mul3A_49] : memref<3276800xi32, #tpu.memory_space<hbm>> -> memref<256xi32, #tpu.memory_space<hbm>>
      %dma_start3A_51 = tpu.memref_slice %arg2[%mul3A_49] : memref<3276800xi32, #tpu.memory_space<hbm>> -> memref<256xi32, #tpu.memory_space<hbm>>
      tpu.enqueue_dma source(%dma_start3A_51 : memref<256xi32, #tpu.memory_space<hbm>>) target(%arg7 : memref<256xi32, #tpu.memory_space<vmem>>) target_semaphore(%arg14 : memref<!tpu.dma_semaphore, #tpu.memory_space<semaphore_mem>>)
      %add3A_52 = arith.addi %mul3A_2, %add3A_40 : i32
      %mul3A_53 = arith.constant 256 : i32
      %mul3A_54 = arith.muli %add3A_52, %mul3A_53 : i32
      %dma_start3A_55 = arith.constant 0 : i32
      %dma_start3A_56 = tpu.memref_slice %arg4[%mul3A_54, %dma_start3A_55] : memref<3276800x128xf32, #tpu.memory_space<hbm>> -> memref<256x128xf32, #tpu.memory_space<hbm>>
      %dma_start3A_57 = arith.constant 0 : i32
      %dma_start3A_58 = tpu.memref_slice %arg4[%mul3A_54, %dma_start3A_57] : memref<3276800x128xf32, #tpu.memory_space<hbm>> -> memref<256x128xf32, #tpu.memory_space<hbm>>
      tpu.enqueue_dma source(%arg8 : memref<256x128xf32, #tpu.memory_space<vmem>>) target(%dma_start3A_58 : memref<256x128xf32, #tpu.memory_space<hbm>>) target_semaphore(%arg18 : memref<!tpu.dma_semaphore, #tpu.memory_space<semaphore_mem>>)
      %mul3A_59 = arith.constant 3 : i32
      %mul3A_60 = arith.muli %mul3A_59, %scan3A_35 : i32
      %add3A_61 = arith.constant 1 : i32
      %add3A_62 = arith.addi %mul3A_60, %add3A_61 : i32
      %gt3A_63 = arith.constant 0 : i32
      %gt3A_64 = arith.cmpi sgt, %scan3A_35, %gt3A_63 : i32
      %convert_element_type3A_65 = arith.extui %gt3A_64 : i1 to i32
      %cond3A_66 = arith.constant 0 : i32
      %cond3A_67 = arith.cmpi ne, %convert_element_type3A_65, %cond3A_66 : i32
      scf.if %cond3A_67 {
        %dma_wait3A_104 = arith.constant 0 : i32
        %dma_wait3A_105 = arith.constant 0 : i32
        %dma_wait3A_106 = tpu.memref_slice %arg4[%dma_wait3A_104, %dma_wait3A_105] : memref<3276800x128xf32, #tpu.memory_space<hbm>> -> memref<256x128xf32, #tpu.memory_space<hbm>>
        %dma_wait3A_107 = arith.constant 0 : i32
        %dma_wait3A_108 = arith.constant 0 : i32
        %dma_wait3A_109 = tpu.memref_slice %arg4[%dma_wait3A_107, %dma_wait3A_108] : memref<3276800x128xf32, #tpu.memory_space<hbm>> -> memref<256x128xf32, #tpu.memory_space<hbm>>
        tpu.wait_dma2 semaphore(%arg20 : memref<!tpu.dma_semaphore, #tpu.memory_space<semaphore_mem>>) src(%arg10 : memref<256x128xf32, #tpu.memory_space<vmem>>) dst(%dma_wait3A_109 : memref<256x128xf32, #tpu.memory_space<hbm>>)
      } else {
      }
      %add3A_68 = arith.constant 2 : i32
      %add3A_69 = arith.addi %add3A_62, %add3A_68 : i32
      %add3A_70 = arith.addi %mul3A_2, %add3A_69 : i32
      %mul3A_71 = arith.constant 256 : i32
      %mul3A_72 = arith.muli %add3A_70, %mul3A_71 : i32
      %dma_start3A_73 = tpu.memref_slice %arg2[%mul3A_72] : memref<3276800xi32, #tpu.memory_space<hbm>> -> memref<256xi32, #tpu.memory_space<hbm>>
      %dma_start3A_74 = tpu.memref_slice %arg2[%mul3A_72] : memref<3276800xi32, #tpu.memory_space<hbm>> -> memref<256xi32, #tpu.memory_space<hbm>>
      tpu.enqueue_dma source(%dma_start3A_74 : memref<256xi32, #tpu.memory_space<hbm>>) target(%arg5 : memref<256xi32, #tpu.memory_space<vmem>>) target_semaphore(%arg12 : memref<!tpu.dma_semaphore, #tpu.memory_space<semaphore_mem>>)
      %add3A_75 = arith.addi %mul3A_2, %add3A_62 : i32
      %mul3A_76 = arith.constant 256 : i32
      %mul3A_77 = arith.muli %add3A_75, %mul3A_76 : i32
      %dma_start3A_78 = arith.constant 0 : i32
      %dma_start3A_79 = tpu.memref_slice %arg4[%mul3A_77, %dma_start3A_78] : memref<3276800x128xf32, #tpu.memory_space<hbm>> -> memref<256x128xf32, #tpu.memory_space<hbm>>
      %dma_start3A_80 = arith.constant 0 : i32
      %dma_start3A_81 = tpu.memref_slice %arg4[%mul3A_77, %dma_start3A_80] : memref<3276800x128xf32, #tpu.memory_space<hbm>> -> memref<256x128xf32, #tpu.memory_space<hbm>>
      tpu.enqueue_dma source(%arg9 : memref<256x128xf32, #tpu.memory_space<vmem>>) target(%dma_start3A_81 : memref<256x128xf32, #tpu.memory_space<hbm>>) target_semaphore(%arg19 : memref<!tpu.dma_semaphore, #tpu.memory_space<semaphore_mem>>)
      %mul3A_82 = arith.constant 3 : i32
      %mul3A_83 = arith.muli %mul3A_82, %scan3A_35 : i32
      %add3A_84 = arith.constant 2 : i32
      %add3A_85 = arith.addi %mul3A_83, %add3A_84 : i32
      %dma_wait3A_86 = arith.constant 0 : i32
      %dma_wait3A_87 = arith.constant 0 : i32
      %dma_wait3A_88 = tpu.memref_slice %arg4[%dma_wait3A_86, %dma_wait3A_87] : memref<3276800x128xf32, #tpu.memory_space<hbm>> -> memref<256x128xf32, #tpu.memory_space<hbm>>
      %dma_wait3A_89 = arith.constant 0 : i32
      %dma_wait3A_90 = arith.constant 0 : i32
      %dma_wait3A_91 = tpu.memref_slice %arg4[%dma_wait3A_89, %dma_wait3A_90] : memref<3276800x128xf32, #tpu.memory_space<hbm>> -> memref<256x128xf32, #tpu.memory_space<hbm>>
      tpu.wait_dma2 semaphore(%arg18 : memref<!tpu.dma_semaphore, #tpu.memory_space<semaphore_mem>>) src(%arg8 : memref<256x128xf32, #tpu.memory_space<vmem>>) dst(%dma_wait3A_91 : memref<256x128xf32, #tpu.memory_space<hbm>>)
      %lt3A = arith.constant 132 : i32
      %lt3A_92 = arith.cmpi slt, %scan3A_35, %lt3A : i32
      %convert_element_type3A_93 = arith.extui %lt3A_92 : i1 to i32
      %cond3A_94 = arith.constant 0 : i32
      %cond3A_95 = arith.cmpi ne, %convert_element_type3A_93, %cond3A_94 : i32
      scf.if %cond3A_95 {
        %add3A_104 = arith.constant 2 : i32
        %add3A_105 = arith.addi %add3A_85, %add3A_104 : i32
        %add3A_106 = arith.addi %mul3A_2, %add3A_105 : i32
        %mul3A_107 = arith.constant 256 : i32
        %mul3A_108 = arith.muli %add3A_106, %mul3A_107 : i32
        %dma_start3A_109 = tpu.memref_slice %arg2[%mul3A_108] : memref<3276800xi32, #tpu.memory_space<hbm>> -> memref<256xi32, #tpu.memory_space<hbm>>
        %dma_start3A_110 = tpu.memref_slice %arg2[%mul3A_108] : memref<3276800xi32, #tpu.memory_space<hbm>> -> memref<256xi32, #tpu.memory_space<hbm>>
        tpu.enqueue_dma source(%dma_start3A_110 : memref<256xi32, #tpu.memory_space<hbm>>) target(%arg6 : memref<256xi32, #tpu.memory_space<vmem>>) target_semaphore(%arg13 : memref<!tpu.dma_semaphore, #tpu.memory_space<semaphore_mem>>)
      } else {
      }
      %add3A_96 = arith.addi %mul3A_2, %add3A_85 : i32
      %mul3A_97 = arith.constant 256 : i32
      %mul3A_98 = arith.muli %add3A_96, %mul3A_97 : i32
      %dma_start3A_99 = arith.constant 0 : i32
      %dma_start3A_100 = tpu.memref_slice %arg4[%mul3A_98, %dma_start3A_99] : memref<3276800x128xf32, #tpu.memory_space<hbm>> -> memref<256x128xf32, #tpu.memory_space<hbm>>
      %dma_start3A_101 = arith.constant 0 : i32
      %dma_start3A_102 = tpu.memref_slice %arg4[%mul3A_98, %dma_start3A_101] : memref<3276800x128xf32, #tpu.memory_space<hbm>> -> memref<256x128xf32, #tpu.memory_space<hbm>>
      tpu.enqueue_dma source(%arg10 : memref<256x128xf32, #tpu.memory_space<vmem>>) target(%dma_start3A_102 : memref<256x128xf32, #tpu.memory_space<hbm>>) target_semaphore(%arg20 : memref<!tpu.dma_semaphore, #tpu.memory_space<semaphore_mem>>)
      %scan3A_103 = arith.constant 0 : i32
      scf.yield %scan3A_103 : i32
    }
    %scan3A_10 = arith.constant 133 : i32
    %add3A_11 = arith.constant 399 : i32
    %add3A_12 = arith.addi %mul3A_2, %add3A_11 : i32
    %mul3A_13 = arith.constant 256 : i32
    %mul3A_14 = arith.muli %add3A_12, %mul3A_13 : i32
    %dma_start3A = arith.constant 0 : i32
    %dma_start3A_15 = tpu.memref_slice %arg4[%mul3A_14, %dma_start3A] : memref<3276800x128xf32, #tpu.memory_space<hbm>> -> memref<256x128xf32, #tpu.memory_space<hbm>>
    %dma_start3A_16 = arith.constant 0 : i32
    %dma_start3A_17 = tpu.memref_slice %arg4[%mul3A_14, %dma_start3A_16] : memref<3276800x128xf32, #tpu.memory_space<hbm>> -> memref<256x128xf32, #tpu.memory_space<hbm>>
    tpu.enqueue_dma source(%arg8 : memref<256x128xf32, #tpu.memory_space<vmem>>) target(%dma_start3A_17 : memref<256x128xf32, #tpu.memory_space<hbm>>) target_semaphore(%arg18 : memref<!tpu.dma_semaphore, #tpu.memory_space<semaphore_mem>>)
    %dma_wait3A = arith.constant 0 : i32
    %dma_wait3A_18 = arith.constant 0 : i32
    %dma_wait3A_19 = tpu.memref_slice %arg4[%dma_wait3A, %dma_wait3A_18] : memref<3276800x128xf32, #tpu.memory_space<hbm>> -> memref<256x128xf32, #tpu.memory_space<hbm>>
    %dma_wait3A_20 = arith.constant 0 : i32
    %dma_wait3A_21 = arith.constant 0 : i32
    %dma_wait3A_22 = tpu.memref_slice %arg4[%dma_wait3A_20, %dma_wait3A_21] : memref<3276800x128xf32, #tpu.memory_space<hbm>> -> memref<256x128xf32, #tpu.memory_space<hbm>>
    tpu.wait_dma2 semaphore(%arg18 : memref<!tpu.dma_semaphore, #tpu.memory_space<semaphore_mem>>) src(%arg8 : memref<256x128xf32, #tpu.memory_space<vmem>>) dst(%dma_wait3A_22 : memref<256x128xf32, #tpu.memory_space<hbm>>)
    %dma_wait3A_23 = arith.constant 0 : i32
    %dma_wait3A_24 = arith.constant 0 : i32
    %dma_wait3A_25 = tpu.memref_slice %arg4[%dma_wait3A_23, %dma_wait3A_24] : memref<3276800x128xf32, #tpu.memory_space<hbm>> -> memref<256x128xf32, #tpu.memory_space<hbm>>
    %dma_wait3A_26 = arith.constant 0 : i32
    %dma_wait3A_27 = arith.constant 0 : i32
    %dma_wait3A_28 = tpu.memref_slice %arg4[%dma_wait3A_26, %dma_wait3A_27] : memref<3276800x128xf32, #tpu.memory_space<hbm>> -> memref<256x128xf32, #tpu.memory_space<hbm>>
    tpu.wait_dma2 semaphore(%arg19 : memref<!tpu.dma_semaphore, #tpu.memory_space<semaphore_mem>>) src(%arg9 : memref<256x128xf32, #tpu.memory_space<vmem>>) dst(%dma_wait3A_28 : memref<256x128xf32, #tpu.memory_space<hbm>>)
    %dma_wait3A_29 = arith.constant 0 : i32
    %dma_wait3A_30 = arith.constant 0 : i32
    %dma_wait3A_31 = tpu.memref_slice %arg4[%dma_wait3A_29, %dma_wait3A_30] : memref<3276800x128xf32, #tpu.memory_space<hbm>> -> memref<256x128xf32, #tpu.memory_space<hbm>>
    %dma_wait3A_32 = arith.constant 0 : i32
    %dma_wait3A_33 = arith.constant 0 : i32
    %dma_wait3A_34 = tpu.memref_slice %arg4[%dma_wait3A_32, %dma_wait3A_33] : memref<3276800x128xf32, #tpu.memory_space<hbm>> -> memref<256x128xf32, #tpu.memory_space<hbm>>
    tpu.wait_dma2 semaphore(%arg20 : memref<!tpu.dma_semaphore, #tpu.memory_space<semaphore_mem>>) src(%arg10 : memref<256x128xf32, #tpu.memory_space<vmem>>) dst(%dma_wait3A_34 : memref<256x128xf32, #tpu.memory_space<hbm>>)
    return
  }
}

</mosaic_0001>

<sc_bundles>
// kernel: kernel.3.cloned.1.call-start
scs
__scs_entry_jumppad:
0x0: {  	(pc) =	sbr.rel $0x88, $3  }
0x1: {  	(tag) =	ssettag $0x0;
	lr =	simm.s32 $0x1  }
0x2: {  	[smem:$0x3F9F] =	sst lr;
	_ =	strace $0xD0000000  }
0x3: {  	_ = 	snop  }
0x4: {  	_ = 	snop  }
0x5: {  	_ = 	snop  }
0x6: {  	_ = 	snop  }
0x7: {  	_ = 	snop  }
__scs_overlays_trampoline_lowered:
0x8: {  	[smem:$0x3FAE] =	sst s0  }
0x9: {  	[smem:$0x3FAF] =	sst s1  }
0xa: {  	[smem:$0x3FB0] =	sst s2  }
0xb: {  	[smem:$0x3FB1] =	sst s3  }
0xc: {  	[smem:$0x3FB2] =	sst s4  }
0xd: {  	[smem:$0x3FB3] =	sst s5  }
0xe: {  	[smem:$0x3FB4] =	sst s6  }
0xf: {  	[smem:$0x3FB5] =	sst s7  }
0x10: {  	[smem:$0x3FB6] =	sst s8  }
0x11: {  	[smem:$0x3FB7] =	sst s9;
	s0 =	simm.s32 @!p0 $0x0  }
0x12: {  	s1 =	sld [smem:$0x3F9D];
	s0 =	simm.s32 @p0 $0x1  }
0x13: {  	[smem:$0x3FB8] =	sst s0;
	s0 =	simm.s32 @!p1 $0x0  }
0x14: {  	s2 =	sld [smem:$0x3F9C];
	s0 =	simm.s32 @p1 $0x1  }
0x15: {  	[smem:$0x3FB9] =	sst s0;
	s0 =	simm.s32 @!p2 $0x0  }
0x16: {  	s3 =	sld [smem:$0x3FDB];
	s0 =	simm.s32 @p2 $0x1  }
0x17: {  	s4 =	simm.s32 $0x1BF5;
	[smem:$0x3FBB] =	sst s0  }
0x18: {  	s0 =	sld [smem:$0x3F9E];
	_ =	swait.ge [sflag:s4], $0x0  }
0x19: {  	s7 =	sld [smem:$0x3F9F]  }
0x1a: {  	s8 =	sadd.s32 $0xFFFFE003, lr  }
0x1b: {  	s9 =	sadd.s32 $0xFFFFFEF7, lr;
	s5 =	simm.s32 $0xFFFFFFFF;
	p2 =	slt.u32 s8, $0xFFFFF086  }
0x1c: {  	p1 =	slt.u32 s9, $0xF7A;
	s5 =	simm.s32 @!p2 $0x0  }
0x1d: {  	s5 =	simm.s32 @p1 $0x1;
	p0 =	seq.s32 s7, s2  }
0x1e: {  	s7 =	smul.u32 @!p0 $0xF7A, s2;
	p2 =	seq.s32 @!p0 s5, $0x0  }
0x1f: {  	s9 =	smul.u32 $0xF7A, s1;
	s8 =	simm.s32 @!p0 $0x1BF5;
	p2 =	por !p2, p0  }
0x20: {  	[sflag:s8] =	ssyncset.s32 @!p0 $0xFFFFF086;
	s6 =	sadd.s32 @!p0 s3, s7;
	s7 =	simm.s32 @!p0 $0x108  }
0x21: {  	s3 =	sadd.s32 s3, s9;
	s6 =	sadd.s32 @!p0 $0x88, s6;
	s7 =	simm.s32 @p2 $0x1082  }
0x22: {  	[simem:s7], [sflag:s8] =	dma.local @!p0 [hbm:s6], $0xF7A  }
0x23: {  	s9 =	sor.u32 $0xD0000000, s2;
	s6 =	simm.s32 $0x108;
	_ =	swait.ge @!p0 [sflag:s8], $0x0  }
0x24: {  	s3 =	sadd.s32 $0x88, s3;
	s6 =	simm.s32 @!p1 $0x1082;
	[sflag:s4] =	ssyncset.s32 $0xFFFFF086  }
0x25: {  	[simem:s6], [sflag:s4] =	dma.local [hbm:s3], $0xF7A  }
0x26: {  	[smem:$0x3F9F] =	sst s1;
	(tag) =	ssettag s2;
	_ =	strace s9  }
0x27: {  	s1 =	sld [smem:$0x3FAF]  }
0x28: {  	s2 =	sld [smem:$0x3FB0]  }
0x29: {  	s4 =	sld [smem:$0x3FB2]  }
0x2a: {  	p0 =	seq.s32 s5, $0x0;
	s5 =	sld [smem:$0x3FB3]  }
0x2b: {  	s6 =	sld [smem:$0x3FB4]  }
0x2c: {  	s7 =	sld [smem:$0x3FB5]  }
0x2d: {  	s3 =	simm.s32 $0x108;
	s8 =	sld [smem:$0x3FB6]  }
0x2e: {  	s3 =	simm.s32 @!p0 $0x1082;
	s9 =	sld [smem:$0x3FB7]  }
0x2f: {  	lr =	sadd.s32 s0, s3;
	s0 =	sld [smem:$0x3FAE]  }
0x30: {  	s3 =	sld [smem:$0x3FB1]  }
0x31: {  	[smem:$0x3FBA] =	sst s10  }
0x32: {  	s10 =	sld [smem:$0x3FB8];
	_ =	sdelay $0x3  }
0x33: {  	p0 =	seq.s32 s10, $0x1;
	s10 =	sld [smem:$0x3FBA];
	_ =	sdelay $0x3  }
0x34: {  	[smem:$0x3FBA] =	sst s10  }
0x35: {  	s10 =	sld [smem:$0x3FB9];
	_ =	sdelay $0x3  }
0x36: {  	p1 =	seq.s32 s10, $0x1;
	s10 =	sld [smem:$0x3FBA];
	_ =	sdelay $0x3  }
0x37: {  	[smem:$0x3FBA] =	sst s10  }
0x38: {  	s10 =	sld [smem:$0x3FBB]  }
0x39: {  	_ = 	snop;
	(pc) =	sbr.ind lr, $3  }
0x3a: {  	_ = 	snop  }
0x3b: {  	_ = 	snop  }
0x3c: {  	p2 =	seq.s32 s10, $0x1;
	s10 =	sld [smem:$0x3FBA]  }
0x3d: {  	_ =	shalt  }
0x3e: {  	_ =	shalt  }
0x3f: {  	_ =	shalt  }
0x40: {  	_ =	shalt  }
0x41: {  	_ =	shalt  }
0x42: {  	_ =	shalt  }
0x43: {  	_ =	shalt  }
0x44: {  	_ =	shalt  }
0x45: {  	_ =	shalt  }
0x46: {  	_ =	shalt  }
0x47: {  	_ =	shalt  }
0x48: {  	_ =	shalt  }
0x49: {  	_ =	shalt  }
0x4a: {  	_ =	shalt  }
0x4b: {  	_ =	shalt  }
0x4c: {  	_ =	shalt  }
0x4d: {  	_ =	shalt  }
0x4e: {  	_ =	shalt  }
0x4f: {  	_ =	shalt  }
0x50: {  	_ =	shalt  }
0x51: {  	_ =	shalt  }
0x52: {  	_ =	shalt  }
0x53: {  	_ =	shalt  }
0x54: {  	_ =	shalt  }
0x55: {  	_ =	shalt  }
0x56: {  	_ =	shalt  }
0x57: {  	_ =	shalt  }
0x58: {  	_ =	shalt  }
0x59: {  	_ =	shalt  }
0x5a: {  	_ =	shalt  }
0x5b: {  	_ =	shalt  }
0x5c: {  	_ =	shalt  }
0x5d: {  	_ =	shalt  }
0x5e: {  	_ =	shalt  }
0x5f: {  	_ =	shalt  }
0x60: {  	_ =	shalt  }
0x61: {  	_ =	shalt  }
0x62: {  	_ =	shalt  }
0x63: {  	_ =	shalt  }
0x64: {  	_ =	shalt  }
0x65: {  	_ =	shalt  }
0x66: {  	_ =	shalt  }
0x67: {  	_ =	shalt  }
0x68: {  	_ =	shalt  }
0x69: {  	_ =	shalt  }
0x6a: {  	_ =	shalt  }
0x6b: {  	_ =	shalt  }
0x6c: {  	_ =	shalt  }
0x6d: {  	_ =	shalt  }
0x6e: {  	_ =	shalt  }
0x6f: {  	_ =	shalt  }
0x70: {  	_ =	shalt  }
0x71: {  	_ =	shalt  }
0x72: {  	_ =	shalt  }
0x73: {  	_ =	shalt  }
0x74: {  	_ =	shalt  }
0x75: {  	_ =	shalt  }
0x76: {  	_ =	shalt  }
0x77: {  	_ =	shalt  }
0x78: {  	_ =	shalt  }
0x79: {  	_ =	shalt  }
0x7a: {  	_ =	shalt  }
0x7b: {  	_ =	shalt  }
0x7c: {  	_ =	shalt  }
0x7d: {  	_ =	shalt  }
0x7e: {  	_ =	shalt  }
0x7f: {  	_ =	shalt  }
0x80: {  	_ =	shalt  }
0x81: {  	_ =	shalt  }
0x82: {  	_ =	shalt  }
0x83: {  	_ =	shalt  }
0x84: {  	_ =	shalt  }
0x85: {  	_ =	shalt  }
0x86: {  	_ =	shalt  }
0x87: {  	_ =	shalt  }
.Lfunc_end0:
.L_simem_size_0:
called_computation_lowered:
.L_overlay_start_0:
0x88: {  	s2 =	sld [smem:$0x3FD9]  }
0x89: {  	s3 =	sld [smem:$0x3FFE];
	_ =	sdelay $0x1  }
0x8a: {  	s1 =	srdreg.scid  }
0x8b: {  	s0 =	sand.u32 $0x1, s1  }
0x8c: {  	s17 =	sshll.u32 s0, $0xA;
	s2 =	sadd.s32 s3, s2  }
0x8d: {  	s2 =	sadd.s32 s2, s17  }
0x8e: {  	[smem:$0x3FC6] =	sst s2  }
0x8f: {  	_ = 	snop  }
0x90: {  	s2 =	sld [smem:$0x3FC8]  }
0x91: {  	s18 =	sld [smem:$0x3FD0];
	(tm) =	ssettm $0x1  }
0x92: {  	s4 =	sld [smem:$0x3FFB];
	_ =	sdelay $0x3  }
0x93: {  	_ =	strace s4  }
0x94: {  	s4 =	sld [smem:$0x3FFC];
	_ =	sdelay $0x3  }
0x95: {  	_ =	strace s4  }
0x96: {  	s4 =	sld [smem:$0x3FFD];
	_ =	sdelay $0x3  }
0x97: {  	_ =	strace s4  }
0x98: {  	_ =	strace $0x8FFFFFFF  }
0x99: {  	s19 =	sld [smem:$0x3FDB];
	_ =	sdelay $0x1  }
0x9a: {  	s5 =	simm.s32 $_scs_section_size  }
0x9b: {  	s6 =	simm.s32 $_size__tile_overlayer_lowered;
	s7 =	simm.s32 $_tile_overlayer_lowered  }
0x9c: {  	s22 =	simm.s32 $0x1BFF;
	s21 =	sshll.u32 s7, $0x1;
	s4 =	sadd.s32 s5, s19  }
0x9d: {  	s8 =	simm.s32 $0x0;
	s20 =	sshll.u32 s6, $0x1;
	s6 =	sadd.s32 s21, s4  }
0x9e: {  	[timem:s8], [sflag:s22] =	dma.local [hbm:s6], s20  }
0x9f: {  	_ =	swait.ge [sflag:s22], s20  }
0xa0: {  	s5 =	ssub.s32 $0x0, s20;
	[sflag:s22] =	ssyncset.done $0x0  }
0xa1: {  	[sflag:s22] =	ssyncadd.s32 s5;
	_ =	sdelay $0x1  }
0xa2: {  	s23 =	simm.s32 $0x1B8B  }
0xa3: {  	_ =	swait.ge [sflag:s23], $0x1  }
0xa4: {  	[sflag:s23] =	ssyncset.done $0x0  }
0xa5: {  	s25 =	simm.s32 $0x1B8E;
	s24 =	sld [smem:$0x3FFE];
	[sflag:s23] =	ssyncadd.s32 $0xFFFFFFFF  }
0xa6: {  	s26 =	simm.s32 $execute0_lowered;
	[smem:$0x3FD2] =	sst s25  }
0xa7: {  	s6 =	sshll.u32 s26, $0x1;
	_ =	strace $0x80000046;
	[dreg:$0x1] =	wrdreg $0xFFFFFFFF  }
0xa8: {  	s28 =	simm.s32 $_size_execute0_lowered;
	s4 =	sadd.s32 s4, s6;
	[dreg:$0x0] =	wrdreg $0x0  }
0xa9: {  	s6 =	sshll.u32 s28, $0x1;
	[dreg:$0x2] =	wrdreg s4  }
0xaa: {  	[dreg:$0x3] =	wrdreg s6  }
0xab: {  	[dreg:$0x4] =	wrdreg $0xC0  }
0xac: {  	_ =	task [dreg:s8], $0x5FFFF  }
0xad: {  	[dreg:$0x1] =	wrdreg $0xFFFFFFFF  }
0xae: {  	[dreg:$0x0] =	wrdreg $0x60  }
0xaf: {  	[dreg:$0x2] =	wrdreg s24  }
0xb0: {  	[dreg:$0x3] =	wrdreg s2  }
0xb1: {  	[dreg:$0x4] =	wrdreg s18  }
0xb2: {  	[dreg:$0x5] =	wrdreg $0x183000  }
0xb3: {  	[dreg:$0x6] =	wrdreg $0x9  }
0xb4: {  	_ =	task.clear_ibuf [dreg:s8], $0x7FFFF;
	_ =	strace $0x90000046  }
0xb5: {  	s29 =	simm.s32 $0x9;
	_ =	strace $0x80000048  }
0xb6: {  	_ =	swait.ge [sflag:s29], $0x1  }
0xb7: {  	[sflag:s29] =	ssyncadd.s32 $0xFFFFFFFF  }
0xb8: {  	_ =	strace $0x90000048  }
0xb9: {  	_ =	sfence  }
0xba: {  	s30 =	sld [smem:$0x0];
	_ =	sdelay $0x2  }
0xbb: {  	s31 =	sshll.u32 s1, $0xD;
	s1 =	sshrl.u32 s1, $0x2  }
0xbc: {  	s3 =	sand.u32 $0x4000, s31;
	s1 =	sadd.s32 s1, s30  }
0xbd: {  	s0 =	sor.u32 s3, s0;
	s1 =	sshll.u32 s1, $0x11  }
0xbe: {  	s0 =	sor.u32 s1, s0  }
0xbf: {  	s0 =	sadd.s32 $0x8F2B, s0  }
0xc0: {  	[sflag:s0] =	ssyncadd.remote.s32 $0x1  }
0xc1: {  	_ =	sfence.sel $0xFFFF  }
0xc2: {  	[dreg:$0x0] =	wrdreg $0xFFFFFFFF;
	(pc) =	sbr.abs _section_cstart, $3  }
0xc3: {  	[dreg:$0x1] =	wrdreg $0xFFFFFFFF  }
0xc4: {  	_ =	task.clear_ibuf [dreg:s8], $0x2FFFF;
	_ =	strace $0x9FFFFFFF  }
0xc5: {  	(tm) =	ssettm $0x7FFFFFFF  }
tec
execute0_lowered:
.L_overlay_start_1:
0x0: {  	(tag) =	ssettag $0x1  }
0x1: {  	s0 =	rddreg [dreg:$0x0]  }
0x2: {  	s19 =	rddreg [dreg:$0x2]  }
0x3: {  	s1 =	srdreg.scid;
	s2 =	stileid.u32  }
0x4: {  	s5 =	rddreg [dreg:$0x3];
	s28 =	simm.s32 $0x5;
	s31 =	smul.u32 $0x320, s2  }
0x5: {  	s29 =	simm.s32 $0x6;
	s1 =	sand.u32 $0x1, s1;
	s18 =	smul.u32 $0x320000, s2  }
0x6: {  	s30 =	simm.s32 $0x0;
	s3 =	sshll.u32 s2, $0x1;
	s16 =	smul.u32 $0x190, s1  }
0x7: {  	s10 =	sor.u32 s1, s3;
	s6 =	ssub.s32 $0x2, s1;
	s1 =	smul.u32 $0x190000, s1  }
0x8: {  	s4 =	sadd.s32 $0x400, s0;
	p0 =	sne.s32 s2, $0x0;
	s7 =	smul.u32 $0x190, s10  }
0x9: {  	s3 =	simm.s32 $0x0;
	s20 =	sshrl.u32 @!p0 s5, $0x3;
	s9 =	smul.u32 $0xC80000, s10  }
0xa: {  	[smem:$0x7FF] =	sst s3;
	s8 =	sshrl.u32 s6, $0x1;
	s24 =	smul.u32 $0x190000, s10  }
0xb: {  	s13 =	smul.u32 $0x3200, s10;
	s18 =	sadd.s32 s18, s19;
	_ =	strace $0x80000047  }
0xc: {  	s21 =	ssub.s32 s6, s8;
	s1 =	sadd.s32 s1, s18;
	s12 =	sor.u32 $0x2, s7  }
0xd: {  	s11 =	sshll.u32 s7, $0xC;
	s22 =	sshrl.u32 s9, $0x3;
	s23 =	sshll.u32 s7, $0x5  }
0xe: {  	s0 =	smax.u32 s21, $0x1;
	s8 =	sadd.s32 s19, s24;
	s14 =	sadd.s32 s4, s13  }
0xf: {  	s21 =	simm.s32 $0x200;
	s24 =	simm.s32 $0x4;
	s6 =	sadd.s32 s19, s22  }
0x10: {  	[dreg:$0x6] =	wrdreg s0;
	s25 =	sshll.u32 s12, $0x5;
	s26 =	sadd.s32 s23, s4  }
0x11: {  	s11 =	sadd.s32 s11, s19;
	s12 =	sshll.u32 s12, $0xC;
	s13 =	sadd.s32 $0x18C000, s8  }
0x12: {  	s14 =	sadd.s32 $0x31E0, s14;
	s15 =	sadd.s32 $0x18D000, s8;
	s0 =	sadd.s32 s16, s31  }
0x13: {  	s22 =	simm.s32 $0x300;
	s23 =	simm.s32 $0x8300;
	s6 =	sadd.s32 $0x18F000, s6  }
0x14: {  	s7 =	sadd.s32 s4, s25;
	s9 =	sadd.s32 $0x60, s26;
	s10 =	sadd.s32 $0x1000, s11  }
0x15: {  	s11 =	sadd.s32 $0x80, s26;
	s12 =	sadd.s32 s19, s12;
	s16 =	sor.u32 $0x5, s0  }
0x16: {  	s17 =	sshll.u32 s0, $0x5;
	s0 =	sshll.u32 s0, $0xC;
	s25 =	simm.s32 $0x100  }
0x17: {  	s26 =	simm.s32 $0x10300;
	[dreg:$0x5] =	wrdreg s6;
	s0 =	sadd.s32 s0, s19  }
0x18: {  	s17 =	sadd.s32 s17, s4;
	s19 =	sadd.s32 $0x3000, s1;
	s18 =	sadd.s32 $0x4000, s0  }
.LBB2_1:
0x19: {  	s0 =	simm.s32 @!p0 $0x1C07;
	s1 =	rddreg [dreg:$0x1]  }
0x1a: {  	[spmem:s20], [sflag:s0] =	dma.local @!p0 [hbm:s1], $0x5140  }
0x1b: {  	s0 =	simm.s32 @!p0 $0x7  }
0x1c: {  	_ =	swait.ge @!p0 [sflag:s0], $0x5140  }
0x1d: {  	[sflag:s0] =	ssyncset.done @!p0 $0x0  }
0x1e: {  	[sflag:s0] =	ssyncadd.s32 @!p0 $0xFFFFAEC0  }
0x1f: {  	[bflag:$0x0] =	sbarrier.arrive $0xFFFF  }
0x20: {  	[tilespmem:s21], [sflag:$0x3] =	stream.linear.gather [hbm4b:s7+s3], $0x100, $0x38;
	[tilespmem:$0x1ABA0] =	vst v63  }
0x21: {  	_ = 	snop  }
0x22: {  	[hbm4b:s8+s3] =	stream.linear.scatter [tilespmem:s22], [sflag:$0x4], $0x8000, $0x38;
	[tilespmem:$0x1ABA0] =	vst v63  }
0x23: {  	_ = 	snop  }
0x24: {  	[tilespmem:s3], [sflag:$0x1] =	stream.linear.gather [hbm4b:s9+s3], $0x100, $0x38;
	[tilespmem:$0x1ABA0] =	vst v63  }
0x25: {  	_ = 	snop  }
0x26: {  	[hbm4b:s10+s3] =	stream.linear.scatter [tilespmem:s23], [sflag:$0x5], $0x8000, $0x38;
	[tilespmem:$0x1ABA0] =	vst v63  }
0x27: {  	_ =	swait.ge [sflag:s24], $0x8000  }
0x28: {  	[sflag:s24] =	ssyncset.done $0x0  }
0x29: {  	[sflag:s24] =	ssyncadd.s32 $0xFFFF8000  }
0x2a: {  	[tilespmem:s25], [sflag:$0x2] =	stream.linear.gather [hbm4b:s11+s3], $0x100, $0x38;
	[tilespmem:$0x1ABA0] =	vst v63  }
0x2b: {  	_ = 	snop  }
0x2c: {  	[hbm4b:s12+s3] =	stream.linear.scatter [tilespmem:s26], [sflag:$0x6], $0x8000, $0x38;
	[tilespmem:$0x1ABA0] =	vst v63  }
0x2d: {  	_ =	swait.ge [sflag:s28], $0x8000  }
0x2e: {  	s2 =	sadd.s32 $0x0, s17;
	[sflag:s28] =	ssyncset.done $0x0  }
0x2f: {  	s5 =	sadd.s32 $0xA0, s2;
	[sflag:s28] =	ssyncadd.s32 $0xFFFF8000  }
0x30: {  	[tilespmem:s21], [sflag:$0x3] =	stream.linear.gather [hbm4b:s5+s3], $0x100, $0x38;
	[tilespmem:$0x1ABA0] =	vst v63  }
0x31: {  	_ = 	snop  }
0x32: {  	[hbm4b:s19+s3] =	stream.linear.scatter [tilespmem:s22], [sflag:$0x4], $0x8000, $0x38;
	[tilespmem:$0x1ABA0] =	vst v63  }
0x33: {  	_ =	swait.ge [sflag:s29], $0x8000  }
0x34: {  	[sflag:s29] =	ssyncset.done $0x0  }
0x35: {  	s6 =	sadd.s32 $0xC0, s2;
	[sflag:s29] =	ssyncadd.s32 $0xFFFF8000  }
0x36: {  	[tilespmem:s3], [sflag:$0x1] =	stream.linear.gather [hbm4b:s6+s3], $0x100, $0x38;
	[tilespmem:$0x1ABA0] =	vst v63  }
0x37: {  	_ = 	snop  }
0x38: {  	[hbm4b:s18+s3] =	stream.linear.scatter [tilespmem:s23], [sflag:$0x5], $0x8000, $0x38;
	[tilespmem:$0x1ABA0] =	vst v63  }
0x39: {  	_ =	swait.ge [sflag:s24], $0x8000  }
0x3a: {  	s31 =	sadd.s32 $0x3, s16;
	[sflag:s24] =	ssyncset.done $0x0  }
0x3b: {  	s1 =	sadd.s32 $0x3000, s18;
	s0 =	sadd.s32 $0xE0, s2;
	[sflag:s24] =	ssyncadd.s32 $0xFFFF8000  }
0x3c: {  	[tilespmem:s25], [sflag:$0x2] =	stream.linear.gather [hbm4b:s0+s3], $0x100, $0x38;
	[tilespmem:$0x1ABA0] =	vst v63  }
0x3d: {  	s2 =	simm.s32 $0x60;
	s5 =	sadd.s32 $0x1000, s18;
	s0 =	sadd.s32 $0x3000, s19  }
.LBB2_2:
0x3e: {  	[hbm4b:s5+s3] =	stream.linear.scatter [tilespmem:s26], [sflag:$0x6], $0x8000, $0x38;
	[tilespmem:$0x1ABA0] =	vst v63  }
0x3f: {  	s5 =	smov.u32 s2  }
0x40: {  	p1 =	sne.s32 s2, $0x30C0;
	s2 =	sadd.s32 $0x60, s2;
	_ =	swait.ge [sflag:s28], $0x8000  }
0x41: {  	s5 =	sadd.s32 s5, s17;
	[sflag:s28] =	ssyncset.done $0x0  }
0x42: {  	s6 =	sadd.s32 $0xA0, s5;
	[sflag:s28] =	ssyncadd.s32 $0xFFFF8000  }
0x43: {  	[tilespmem:s21], [sflag:$0x3] =	stream.linear.gather [hbm4b:s6+s3], $0x100, $0x38;
	[tilespmem:$0x1ABA0] =	vst v63  }
0x44: {  	_ = 	snop  }
0x45: {  	[hbm4b:s0+s3] =	stream.linear.scatter [tilespmem:s22], [sflag:$0x4], $0x8000, $0x38;
	[tilespmem:$0x1ABA0] =	vst v63  }
0x46: {  	_ =	swait.ge [sflag:s29], $0x8000  }
0x47: {  	[sflag:s29] =	ssyncset.done $0x0  }
0x48: {  	s6 =	sadd.s32 $0xC0, s5;
	[sflag:s29] =	ssyncadd.s32 $0xFFFF8000  }
0x49: {  	[tilespmem:s3], [sflag:$0x1] =	stream.linear.gather [hbm4b:s6+s3], $0x100, $0x38;
	[tilespmem:$0x1ABA0] =	vst v63  }
0x4a: {  	_ = 	snop  }
0x4b: {  	[hbm4b:s1+s3] =	stream.linear.scatter [tilespmem:s23], [sflag:$0x5], $0x8000, $0x38;
	[tilespmem:$0x1ABA0] =	vst v63  }
.Ltmp0:
0x4c: {  	_ =	swait.ge [sflag:s24], $0x8000;
	(pc) =	sbr.rel @p1 .LBB2_2-.Ltmp0, $4  }
0x4d: {  	[sflag:s24] =	ssyncset.done $0x0  }
0x4e: {  	s5 =	sadd.s32 $0xE0, s5;
	s0 =	sadd.s32 $0x3000, s0;
	[sflag:s24] =	ssyncadd.s32 $0xFFFF8000  }
0x4f: {  	[tilespmem:s25], [sflag:$0x2] =	stream.linear.gather [hbm4b:s5+s3], $0x100, $0x38;
	[tilespmem:$0x1ABA0] =	vst v63  }
0x50: {  	s31 =	sadd.s32 $0x3, s31;
	s5 =	sadd.s32 $0x1000, s1;
	s1 =	sadd.s32 $0x3000, s1  }
0x51: {  	[hbm4b:s5+s3] =	stream.linear.scatter [tilespmem:s26], [sflag:$0x6], $0x8000, $0x38;
	[tilespmem:$0x1ABA0] =	vst v63  }
0x52: {  	s0 =	sshll.u32 s31, $0x5;
	_ =	swait.ge [sflag:s28], $0x8000  }
0x53: {  	s0 =	sand.u32 $0x1FFFFFC0, s0;
	[sflag:s28] =	ssyncset.done $0x0  }
0x54: {  	s0 =	sadd.s32 s4, s0;
	[sflag:s28] =	ssyncadd.s32 $0xFFFF8000  }
0x55: {  	[tilespmem:s21], [sflag:$0x3] =	stream.linear.gather [hbm4b:s0+s3], $0x100, $0x38;
	[tilespmem:$0x1ABA0] =	vst v63  }
0x56: {  	_ = 	snop  }
0x57: {  	[hbm4b:s13+s3] =	stream.linear.scatter [tilespmem:s22], [sflag:$0x4], $0x8000, $0x38;
	[tilespmem:$0x1ABA0] =	vst v63  }
0x58: {  	_ =	swait.ge [sflag:s29], $0x8000  }
0x59: {  	[sflag:s29] =	ssyncset.done $0x0  }
0x5a: {  	[sflag:s29] =	ssyncadd.s32 $0xFFFF8000  }
0x5b: {  	[tilespmem:s3], [sflag:$0x1] =	stream.linear.gather [hbm4b:s14+s3], $0x100, $0x38;
	[tilespmem:$0x1ABA0] =	vst v63  }
0x5c: {  	_ = 	snop  }
0x5d: {  	[hbm4b:s15+s3] =	stream.linear.scatter [tilespmem:s23], [sflag:$0x5], $0x8000, $0x38;
	[tilespmem:$0x1ABA0] =	vst v63  }
0x5e: {  	_ =	swait.ge [sflag:s24], $0x8000  }
0x5f: {  	[sflag:s24] =	ssyncset.done $0x0  }
0x60: {  	s5 =	sshll.u32 s31, $0xC;
	[sflag:s24] =	ssyncadd.s32 $0xFFFF8000  }
0x61: {  	s0 =	sand.u32 $0x1FFFE000, s5;
	s1 =	rddreg [dreg:$0x2]  }
0x62: {  	s0 =	sadd.s32 s1, s0  }
0x63: {  	[hbm4b:s0+s3] =	stream.linear.scatter [tilespmem:s26], [sflag:$0x6], $0x8000, $0x38;
	[tilespmem:$0x1ABA0] =	vst v63  }
0x64: {  	s6 =	rddreg [dreg:$0x5]  }
0x65: {  	[hbm4b:s6+s3] =	stream.linear.scatter [tilespmem:s22], [sflag:$0x4], $0x8000, $0x38;
	[tilespmem:$0x1ABA0] =	vst v63  }
0x66: {  	_ =	swait.ge [sflag:s24], $0x8000  }
0x67: {  	[sflag:s24] =	ssyncset.done $0x0  }
0x68: {  	[sflag:s24] =	ssyncadd.s32 $0xFFFF8000  }
0x69: {  	_ =	swait.ge [sflag:s28], $0x8000  }
0x6a: {  	[sflag:s28] =	ssyncset.done $0x0  }
0x6b: {  	[sflag:s28] =	ssyncadd.s32 $0xFFFF8000  }
0x6c: {  	_ =	swait.ge [sflag:s29], $0x8000  }
0x6d: {  	s30 =	sadd.s32 $0x1, s30;
	s31 =	rddreg [dreg:$0x6]  }
0x6e: {  	p1 =	sne.s32 s30, s31  }
.Ltmp1:
0x6f: {  	_ = 	snop;
	(pc) =	sbr.rel @p1 .LBB2_1-.Ltmp1, $3  }
0x70: {  	_ =	sdelay $0x1  }
0x71: {  	[sflag:s29] =	ssyncset.done $0x0  }
0x72: {  	[sflag:s29] =	ssyncadd.s32 $0xFFFF8000  }
0x73: {  	_ =	sfence.sel $0x180000  }
0x74: {  	[bflag:$0x0] =	sbarrier.arrive $0xFFFF  }
0x75: {  	_ =	strace $0x90000047  }
0x76: {  	[bflag:$0x2] =	sbarrier.arrive $0xFFFF  }
0x77: {  	s0 =	rddreg [dreg:$0x4]  }
0x78: {  	s0 =	sadd.s32 @!p0 $0x100000, s0  }
0x79: {  	[sflag:s0] =	ssyncadd.tile.s32 @!p0 $0x1;
	_ =	shalt  }
.Lfunc_end2:
_tile_overlayer_lowered:
.L_overlay_start_2:
0x7a: {  	(tag) =	ssettag $0x2  }
0x7b: {  	s0 =	rddreg [dreg:$0x0];
	s2 =	stileid.u32  }
0x7c: {  	s1 =	rddreg [dreg:$0x1];
	p0 =	sne.s32 s2, $0x0  }
0x7d: {  	s3 =	rddreg [dreg:$0x2];
	[bflag:$0x3] =	sbarrier.arrive $0xFFFF;
	s2 =	simm.s32 @!p0 $0x1C07  }
0x7e: {  	[timem:s3], [sflag:s2] =	dma.local @!p0 [hbm:s0], s1  }
0x7f: {  	s0 =	simm.s32 @!p0 $0x7  }
0x80: {  	_ =	swait.ge @!p0 [sflag:s0], s1  }
0x81: {  	s1 =	ssub.s32 @!p0 $0x0, s1;
	[sflag:s0] =	ssyncset.done @!p0 $0x0  }
0x82: {  	[sflag:s0] =	ssyncadd.s32 @!p0 s1  }
0x83: {  	[bflag:$0x3] =	sbarrier.arrive $0xFFFF  }
0x84: {  	_ =	shalt  }

</sc_bundles>
